<compile_context>
chip_gen: v7x
topology: tpu7x:2x2x1
jax: 0.10.2.dev20260603
libtpu: 0.0.44.dev20260713+nightly
codegen_flags: <defaults>
</compile_context>

<pallas_src>
import jax
import jax.numpy as jnp
from jax.experimental import pallas as pl

B = 256
D_MODEL = 1024
D_KEY = 64
D_VALUE = 64
H = 16
BANK = 4
TOPK = 2
P = H * D_KEY


def _update_body(m_ref, nz_ref, om_ref, on_ref):
    om_ref[...] = m_ref[...]
    on_ref[...] = nz_ref[...]


@jax.jit
def kernel(tensor, matrix, normalizer, sel_index, sel_probs,
           key_kernel, key_bias, value_kernel, value_bias,
           write_kernel, write_bias, erase_kernel, erase_bias,
           key_decay_logits, value_decay_logits):
    f32 = jnp.float32
    BB = 16
    m2 = matrix.reshape(B, H * D_KEY * D_VALUE // 512, 512)
    n2 = normalizer.reshape(B, H * D_KEY)
    m_spec = pl.BlockSpec((BB, H * D_KEY * D_VALUE // 512, 512), lambda i: (i, 0, 0))
    n_spec = pl.BlockSpec((BB, H * D_KEY), lambda i: (i, 0))

    nm, nn = pl.pallas_call(
        _update_body,
        grid=(B // BB,),
        in_specs=[m_spec, n_spec],
        out_specs=[m_spec, n_spec],
        out_shape=[jax.ShapeDtypeStruct(m2.shape, f32),
                   jax.ShapeDtypeStruct(n2.shape, f32)],
    )(m2, n2)

    return (nm.reshape(B, H, D_KEY, D_VALUE) + 0.0 * tensor[0, 0],
            nn.reshape(B, H, D_KEY))

# --- scband reference (transcript-rebuilt; emitter-appended) ---
"""Pipeline reference for scband-write-state-50457275794065 (READ-ONLY COPY).

The authoritative reference and input builder live on the scoring server;
editing this copy changes nothing except your own understanding.
"""

import jax, jax.numpy as jnp
import numpy as np

B = 256
D_MODEL = 1024
D_KEY = 64
D_VALUE = 64
NUM_MEMORIES = 16
BANK_SIZE = 4
TOPK = 2


def _virtual_make_heads(x, kernel, bias, sel_index, sel_probs, num_heads, d_head):
    # VirtualMakeHeads: a bank of linear layers; the effective weight is the
    # probability-weighted combination of the selected bank entries.
    # Projection is linear, so projecting through every bank layer and then
    # selecting/combining the outputs is mathematically identical to combining
    # the weights first (and avoids materializing per-token weight matrices).
    outs = jnp.einsum('bm,nmd->bnd', x, kernel) + bias[None, :, :]  # (B, bank, H*D)
    sel = jnp.take_along_axis(outs, sel_index[:, :, None], axis=1)  # (B, TOPK, H*D)
    combined = jnp.einsum('bk,bkd->bd', sel_probs, sel)
    return combined.reshape(x.shape[0], num_heads, d_head)


def setup_inputs(seed: int = 0) -> dict:
    key = jax.random.key(seed)
    ks = jax.random.split(key, 16)
    s = 0.02
    tensor = jax.random.normal(ks[0], (B, D_MODEL), dtype=jnp.float32)
    matrix = jax.random.normal(ks[1], (B, NUM_MEMORIES, D_KEY, D_VALUE), dtype=jnp.float32)
    normalizer = jax.random.uniform(ks[2], (B, NUM_MEMORIES, D_KEY), dtype=jnp.float32)
    sel_index = jax.random.randint(ks[3], (B, TOPK), 0, BANK_SIZE)
    sp = jax.random.uniform(ks[4], (B, TOPK), dtype=jnp.float32)
    sel_probs = sp / jnp.sum(sp, axis=-1, keepdims=True)
    key_kernel = jax.random.normal(ks[5], (BANK_SIZE, D_MODEL, NUM_MEMORIES * D_KEY), dtype=jnp.float32) * s
    key_bias = jnp.zeros((BANK_SIZE, NUM_MEMORIES * D_KEY), dtype=jnp.float32)
    value_kernel = jax.random.normal(ks[6], (BANK_SIZE, D_MODEL, NUM_MEMORIES * D_VALUE), dtype=jnp.float32) * s
    value_bias = jnp.zeros((BANK_SIZE, NUM_MEMORIES * D_VALUE), dtype=jnp.float32)
    write_kernel = jax.random.normal(ks[7], (BANK_SIZE, D_MODEL, NUM_MEMORIES * D_KEY), dtype=jnp.float32) * s
    write_bias = jnp.zeros((BANK_SIZE, NUM_MEMORIES * D_KEY), dtype=jnp.float32)
    erase_kernel = jax.random.normal(ks[8], (BANK_SIZE, D_MODEL, NUM_MEMORIES * D_KEY), dtype=jnp.float32) * s
    erase_bias = jnp.zeros((BANK_SIZE, NUM_MEMORIES * D_KEY), dtype=jnp.float32)
    p_key = jax.random.uniform(ks[9], (D_KEY,), minval=1e-3, maxval=0.2)
    key_decay_logits = jnp.log(p_key / (1.0 - p_key))
    p_val = jax.random.uniform(ks[10], (D_KEY, D_VALUE), minval=1e-3, maxval=0.999)
    value_decay_logits = jnp.log(p_val / (1.0 - p_val))
    return {
        'tensor': tensor, 'matrix': matrix, 'normalizer': normalizer,
        'sel_index': sel_index, 'sel_probs': sel_probs,
        'key_kernel': key_kernel, 'key_bias': key_bias,
        'value_kernel': value_kernel, 'value_bias': value_bias,
        'write_kernel': write_kernel, 'write_bias': write_bias,
        'erase_kernel': erase_kernel, 'erase_bias': erase_bias,
        'key_decay_logits': key_decay_logits, 'value_decay_logits': value_decay_logits,
    }


def reference(tensor, matrix, normalizer, sel_index, sel_probs,
              key_kernel, key_bias, value_kernel, value_bias,
              write_kernel, write_bias, erase_kernel, erase_bias,
              key_decay_logits, value_decay_logits):
    headed_keys = _virtual_make_heads(tensor, key_kernel, key_bias, sel_index, sel_probs, NUM_MEMORIES, D_KEY)
    headed_values = _virtual_make_heads(tensor, value_kernel, value_bias, sel_index, sel_probs, NUM_MEMORIES, D_VALUE)
    headed_keys = jax.nn.relu(headed_keys)  # kernel_activation
    normalizer_decay = jax.nn.sigmoid(key_decay_logits)                      # (d_key,)
    matrix_decay = jax.nn.sigmoid(value_decay_logits) * normalizer_decay[:, None]  # (d_key, d_value)
    # write gate (sigmoid ControlGate, dropout=0)
    write_logits = _virtual_make_heads(tensor, write_kernel, write_bias, sel_index, sel_probs, NUM_MEMORIES, D_KEY)
    normalizer_write = jax.nn.sigmoid(write_logits)
    matrix_write = normalizer_write[..., None]
    # erase gate
    erase_logits = _virtual_make_heads(tensor, erase_kernel, erase_bias, sel_index, sel_probs, NUM_MEMORIES, D_KEY)
    normalizer_erase = jax.nn.sigmoid(erase_logits)
    matrix_erase = normalizer_erase[..., None]
    normalizer_erase = jnp.maximum(normalizer_erase, normalizer_decay)
    matrix_erase = jnp.maximum(matrix_erase, matrix_decay)
    matrix_update = headed_keys[..., :, None] * headed_values[..., None, :]
    normalizer_update = headed_keys
    matrix_update = matrix_update * matrix_decay
    normalizer_update = normalizer_update * normalizer_decay
    new_matrix = matrix * (1.0 - matrix_write * matrix_erase) + matrix_update * matrix_write
    new_normalizer = normalizer * (1.0 - normalizer_write * normalizer_erase) + normalizer_update * normalizer_write
    return (new_matrix, new_normalizer)

if __name__ == "__main__":
    import jax
    _d = setup_inputs()
    print(jax.jit(kernel)(*tuple(_d.values())))

</pallas_src>

<mosaic_0001>
module attributes {stable_mosaic.version = 14 : i64} {
  func.func @_update_body(%arg0: i32, %arg1: memref<16x128x512xf32, #tpu.memory_space<vmem>>, %arg2: memref<16x1024xf32, #tpu.memory_space<vmem>>, %arg3: memref<16x128x512xf32, #tpu.memory_space<vmem>>, %arg4: memref<16x1024xf32, #tpu.memory_space<vmem>>) attributes {dimension_semantics = [#tpu.dimension_semantics<arbitrary>], iteration_bounds = array<i64: 16>, scalar_prefetch = 0 : i64, scratch_operands = 0 : i64, tpu.core_type = #tpu.core_type<tc>, window_params = [{transform_indices = @transform_0, window_bounds = array<i64: 16, 128, 512>}, {transform_indices = @transform_1, window_bounds = array<i64: 16, 1024>}, {transform_indices = @transform_2, window_bounds = array<i64: 16, 128, 512>}, {transform_indices = @transform_3, window_bounds = array<i64: 16, 1024>}]} {
    %get3A = arith.constant 0 : index
    %get3A_0 = arith.constant 0 : index
    %get3A_1 = arith.constant 0 : index
    %get3A_2 = vector.load %arg1[%get3A, %get3A_0, %get3A_1] : memref<16x128x512xf32, #tpu.memory_space<vmem>>, vector<16x128x512xf32>
    %swap3A = arith.constant 0 : index
    %swap3A_3 = arith.constant 0 : index
    %swap3A_4 = arith.constant 0 : index
    %swap3A_5 = vector.load %arg3[%swap3A, %swap3A_3, %swap3A_4] : memref<16x128x512xf32, #tpu.memory_space<vmem>>, vector<16x128x512xf32>
    tpu.vector_store %arg3[%swap3A, %swap3A_3, %swap3A_4], %get3A_2 {strides = array<i32>} : memref<16x128x512xf32, #tpu.memory_space<vmem>>, vector<16x128x512xf32>,
    %get3A_6 = arith.constant 0 : index
    %get3A_7 = arith.constant 0 : index
    %get3A_8 = vector.load %arg2[%get3A_6, %get3A_7] : memref<16x1024xf32, #tpu.memory_space<vmem>>, vector<16x1024xf32>
    %swap3A_9 = arith.constant 0 : index
    %swap3A_10 = arith.constant 0 : index
    %swap3A_11 = vector.load %arg4[%swap3A_9, %swap3A_10] : memref<16x1024xf32, #tpu.memory_space<vmem>>, vector<16x1024xf32>
    tpu.vector_store %arg4[%swap3A_9, %swap3A_10], %get3A_8 {strides = array<i32>} : memref<16x1024xf32, #tpu.memory_space<vmem>>, vector<16x1024xf32>,
    return
  }
  func.func @transform_0(%arg0: i32) -> (i32, i32, i32) {
    %c0_i32 = arith.constant 0 : i32
    %c0_i32_0 = arith.constant 0 : i32
    %c0_i32_1 = arith.constant 0 : i32
    return %arg0, %c0_i32, %c0_i32_0 : i32, i32, i32
  }
  func.func @transform_1(%arg0: i32) -> (i32, i32) {
    %c0_i32 = arith.constant 0 : i32
    %c0_i32_0 = arith.constant 0 : i32
    return %arg0, %c0_i32 : i32, i32
  }
  func.func @transform_2(%arg0: i32) -> (i32, i32, i32) {
    %c0_i32 = arith.constant 0 : i32
    %c0_i32_0 = arith.constant 0 : i32
    %c0_i32_1 = arith.constant 0 : i32
    return %arg0, %c0_i32, %c0_i32_0 : i32, i32, i32
  }
  func.func @transform_3(%arg0: i32) -> (i32, i32) {
    %c0_i32 = arith.constant 0 : i32
    %c0_i32_0 = arith.constant 0 : i32
    return %arg0, %c0_i32 : i32, i32
  }
}

</mosaic_0001>

<sc_bundles>
// kernel: sparse-core-data-format-call.cloned.1.call-start
scs
called_computation_lowered:
.L_overlay_start_0:
0x0: {  	s2 =	sld [smem:$0x3FD9]  }
0x1: {  	s3 =	sld [smem:$0x3FFE];
	_ =	sdelay $0x1  }
0x2: {  	s1 =	srdreg.scid  }
0x3: {  	s0 =	sand.u32 $0x1, s1  }
0x4: {  	s15 =	sshll.u32 s0, $0xA;
	s2 =	sadd.s32 s3, s2  }
0x5: {  	s2 =	sadd.s32 s2, s15  }
0x6: {  	[smem:$0x3FC5] =	sst s2  }
0x7: {  	_ = 	snop  }
0x8: {  	s2 =	sld [smem:$0x3FD0];
	_ =	sdelay $0x2  }
0x9: {  	s16 =	simm.s32 $0xA;
	s4 =	simm.s32 $0x10  }
0xa: {  	[smem:s4], [sflag:s16] =	dma.local [hbm:s2], $0x1  }
0xb: {  	_ =	swait.eq [sflag:s16], $0x1  }
0xc: {  	[sflag:s16] =	ssyncset.done $0x0  }
0xd: {  	[sflag:s16] =	ssyncadd.s32 $0xFFFFFFFF  }
0xe: {  	s17 =	sld [smem:$0x10];
	(tm) =	ssettm $0x1  }
0xf: {  	s18 =	sld [smem:$0x3FFB];
	_ =	sdelay $0x3  }
0x10: {  	_ =	strace s18  }
0x11: {  	s3 =	sld [smem:$0x3FFC];
	_ =	sdelay $0x3  }
0x12: {  	_ =	strace s3  }
0x13: {  	s3 =	sld [smem:$0x3FFD];
	_ =	sdelay $0x3  }
0x14: {  	_ =	strace s3  }
0x15: {  	_ =	strace $0x8FFFFFFF  }
0x16: {  	s19 =	sld [smem:$0x3FDB];
	_ =	sdelay $0x1  }
0x17: {  	s20 =	simm.s32 $_scs_section_size  }
0x18: {  	s5 =	simm.s32 $_size__tile_overlayer_lowered;
	s6 =	simm.s32 $_tile_overlayer_lowered  }
0x19: {  	s23 =	simm.s32 $0x1BFF;
	s22 =	sshll.u32 s6, $0x1;
	s3 =	sadd.s32 s20, s19  }
0x1a: {  	s7 =	simm.s32 $0x0;
	s21 =	sshll.u32 s5, $0x1;
	s5 =	sadd.s32 s22, s3  }
0x1b: {  	[timem:s7], [sflag:s23] =	dma.local [hbm:s5], s21  }
0x1c: {  	_ =	swait.ge [sflag:s23], s21  }
0x1d: {  	s4 =	ssub.s32 $0x0, s21;
	[sflag:s23] =	ssyncset.done $0x0  }
0x1e: {  	[sflag:s23] =	ssyncadd.s32 s4;
	_ =	sdelay $0x1  }
0x1f: {  	s24 =	simm.s32 $0x1B8B  }
0x20: {  	_ =	swait.ge [sflag:s24], $0x1  }
0x21: {  	[sflag:s24] =	ssyncset.done $0x0  }
0x22: {  	s26 =	simm.s32 $0x1B8E;
	s25 =	sld [smem:$0x3FFE];
	[sflag:s24] =	ssyncadd.s32 $0xFFFFFFFF  }
0x23: {  	s27 =	simm.s32 $execute0_lowered;
	[smem:$0x3FD2] =	sst s26  }
0x24: {  	s5 =	sshll.u32 s27, $0x1;
	_ =	strace $0x80000046;
	[dreg:$0x1] =	wrdreg $0xFFFFFFFF  }
0x25: {  	s28 =	simm.s32 $_size_execute0_lowered;
	s3 =	sadd.s32 s3, s5;
	[dreg:$0x0] =	wrdreg $0x0  }
0x26: {  	s5 =	sshll.u32 s28, $0x1;
	[dreg:$0x2] =	wrdreg s3  }
0x27: {  	[dreg:$0x3] =	wrdreg s5  }
0x28: {  	[dreg:$0x4] =	wrdreg $0xC0  }
0x29: {  	_ =	task [dreg:s7], $0x5FFFF  }
0x2a: {  	[dreg:$0x1] =	wrdreg $0xFFFFFFFF  }
0x2b: {  	[dreg:$0x0] =	wrdreg $0x60  }
0x2c: {  	[dreg:$0x2] =	wrdreg s25  }
0x2d: {  	[dreg:$0x3] =	wrdreg s17  }
0x2e: {  	[dreg:$0x4] =	wrdreg $0x9  }
0x2f: {  	_ =	task.clear_ibuf [dreg:s7], $0x5FFFF;
	_ =	strace $0x90000046  }
0x30: {  	s29 =	simm.s32 $0x9;
	_ =	strace $0x80000048  }
0x31: {  	_ =	swait.ge [sflag:s29], $0x1  }
0x32: {  	[sflag:s29] =	ssyncadd.s32 $0xFFFFFFFF  }
0x33: {  	_ =	strace $0x90000048  }
0x34: {  	_ =	sfence  }
0x35: {  	s30 =	sld [smem:$0x0];
	_ =	sdelay $0x2  }
0x36: {  	s31 =	sshll.u32 s1, $0xD;
	s1 =	sshrl.u32 s1, $0x2  }
0x37: {  	s3 =	sand.u32 $0x4000, s31;
	s1 =	sadd.s32 s1, s30  }
0x38: {  	s0 =	sor.u32 s3, s0;
	s1 =	sshll.u32 s1, $0x11  }
0x39: {  	s0 =	sor.u32 s1, s0  }
0x3a: {  	s0 =	sadd.s32 $0x8F2B, s0  }
0x3b: {  	[sflag:s0] =	ssyncadd.remote.s32 $0x1  }
0x3c: {  	_ =	sfence.sel $0xFFFF  }
0x3d: {  	[dreg:$0x0] =	wrdreg $0xFFFFFFFF;
	(pc) =	sbr.abs _section_cstart, $3  }
0x3e: {  	[dreg:$0x1] =	wrdreg $0xFFFFFFFF  }
0x3f: {  	_ =	task.clear_ibuf [dreg:s7], $0x2FFFF;
	_ =	strace $0x9FFFFFFF  }
0x40: {  	(tm) =	ssettm $0x7FFFFFFF  }
0x41: {  	_ =	shalt  }
tec
execute0_lowered:
.L_overlay_start_1:
0x0: {  	(tag) =	ssettag $0x1  }
0x1: {  	s4 =	rddreg [dreg:$0x0]  }
0x2: {  	s2 =	rddreg [dreg:$0x1]  }
0x3: {  	s0 =	stileid.u32;
	s1 =	rddreg [dreg:$0x2]  }
0x4: {  	s5 =	srdreg.scid;
	_ =	strace $0x80000047;
	s31 =	simm.s32 $0x2  }
0x5: {  	s16 =	simm.s32 $0x0;
	p0 =	por $0x0, $0x0;
	s9 =	simm.s32 $0x800  }
0x6: {  	s15 =	simm.s32 $0x0;
	s14 =	simm.s32 $0x0;
	s3 =	sshll.u32 s0, $0x7  }
0x7: {  	s10 =	simm.s32 $0x0;
	s13 =	simm.s32 $0x0;
	s3 =	sand.u32 $0x80, s3  }
0x8: {  	s5 =	sshll.u32 s5, $0x4;
	s4 =	sadd.s32 $0x200E00, s4;
	s6 =	ssub.s32 $0x100, s3  }
.Ltmp0:
0x9: {  	s5 =	sand.u32 $0x10, s5;
	s7 =	sshrl.u32 s6, $0x7;
	(pc) =	sbr.rel .LBB1_1-.Ltmp0, $4  }
0xa: {  	s5 =	sor.u32 s0, s5;
	s8 =	sshrl.u32 s6, $0x8;
	s7 =	sand.u32 $0x1, s7  }
0xb: {  	s12 =	smov.u32 s3;
	s6 =	simm.s32 $0x1;
	s7 =	sadd.s32 s8, s7  }
0xc: {  	s5 =	sshrl.u32 s5, $0x1;
	[sflag:s6] =	ssyncpa.u1 $0x0;
	s7 =	sshll.u32 s7, $0x5  }
0xd: {  	s11 =	smov.u32 s5;
	[sflag:s31] =	ssyncpa.u1 $0x0;
	s8 =	sor.u32 $0x1, s7  }
.LBB1_4:
0xe: {  	v5 =	vld [tilespmem:s19+$0xFFFFFFD0];
	[tilespmem:s20+$0x2040 ss:$0x81] =	vst.msk $0xffff, v1  }
0xf: {  	v58 =	vld [tilespmem:s19+$0xFFFFFFE0];
	[tilespmem:s20+$0x2850 ss:$0x81] =	vst.msk $0xffff, v2  }
0x10: {  	s21 =	sshra.s32 s21, $0x2;
	v59 =	vld [tilespmem:s19+$0xFFFFFFF0];
	[tilespmem:s20+$0x3060 ss:$0x81] =	vst.msk $0xffff, v3  }
0x11: {  	v60 =	vld [tilespmem:s19+$0x0];
	[tilespmem:s20+$0x0 ss:$0x81] =	vst.msk $0xffff, v0;
	s18 =	sadd.s32 s21, s18  }
0x12: {  	v61 =	vld [tilespmem:s19+$0x10];
	s25 =	sshll.u32 s16, $0x8;
	[tilespmem:s18+$0x3870 ss:$0x81] =	vst.msk $0xffff, v4  }
0x13: {  	s26 =	sshll.u32 s14, $0x3;
	v62 =	vld [tilespmem:s19+$0x20];
	s27 =	sshll.u32 s16, $0x7;
	s30 =	sand.u32 $0x78, s14;
	[tilespmem:s18+$0x810 ss:$0x81] =	vst.msk $0xffff, v5  }
0x14: {  	v63 =	vld [tilespmem:s19+$0xFFFFFFC0];
	s15 =	sshll.u32 s15, $0xE;
	s20 =	sand.u32 $0x1F800, s25;
	s21 =	sand.u32 $0x1FC00, s26;
	[tilespmem:s18+$0x1020 ss:$0x81] =	vst.msk $0xffff, v58  }
0x15: {  	s29 =	sand.u32 $0x300, s27;
	s16 =	sand.u32 $0x80, s27;
	s28 =	sadd.s32 s21, s20;
	[tilespmem:s18+$0x1830 ss:$0x81] =	vst.msk $0xffff, v59  }
0x16: {  	s31 =	sand.u32 $0x7, s14;
	s16 =	sor.u32 s30, s16;
	s19 =	sor.u32 s29, s28;
	[tilespmem:s18+$0x2040 ss:$0x81] =	vst.msk $0xffff, v60  }
0x17: {  	s15 =	sadd.s32 s2, s15;
	s16 =	sshrl.u32 s16, $0x3;
	s19 =	sshrl.u32 s19, $0x3;
	[tilespmem:s18+$0x2850 ss:$0x81] =	vst.msk $0xffff, v61  }
0x18: {  	s14 =	sshll.u32 s31, $0x12;
	s15 =	sadd.s32 s16, s15;
	[tilespmem:s18+$0x3060 ss:$0x81] =	vst.msk $0xffff, v62;
	s19 =	sand.u32 $0x3FE0, s19  }
0x19: {  	s14 =	sor.u32 $0x400, s14;
	[tilespmem:s18+$0x0 ss:$0x81] =	vst.msk $0xffff, v63;
	s15 =	sadd.s32 s19, s15  }
0x1a: {  	[hbm4b:s15+s14] =	stream.strided.scatter [tilespmem:s17], [sflag:$0x2], $0x4000, s9, s14, $0x20;
	[tilespmem:$0x10100] =	vst v63  }
.LBB1_5:
0x1b: {  	s17 =	sadd.s32 $0x80, s10  }
0x1c: {  	s14 =	sadd.s32 $0x10, s11;
	s18 =	smov.u32 s11;
	p2 =	sgt.s32 s17, $0x1FF  }
0x1d: {  	s18 =	smov.u32 @p2 s14  }
0x1e: {  	s20 =	smov.u32 s12;
	s14 =	sadd.s32 $0x100, s12;
	p3 =	sgt.s32 s18, $0x7F  }
0x1f: {  	s20 =	smov.u32 @p3 s14  }
0x20: {  	s17 =	simm.s32 @p2 $0x0;
	p2 =	sgt.s32 s20, $0xFF  }
0x21: {  	p1 =	slt.u32 s13, $0x2;
	s20 =	smov.u32 @p2 s3;
	p2 =	sne.s32 s13, s8  }
.Ltmp1:
0x22: {  	s19 =	simm.s32 @!p1 $0x2;
	(pc) =	sbr.rel @!p2 .LBB1_6-.Ltmp1, $4  }
0x23: {  	s16 =	smov.u32 s10;
	s15 =	smov.u32 s11;
	_ =	swait.ge @!p1 [sflag:s19], $0x4000  }
0x24: {  	p0 =	por !p0, !p0;
	[sflag:s19] =	ssyncset.done @!p1 $0x0;
	s10 =	smov.u32 s17  }
0x25: {  	s18 =	smov.u32 @p3 s5;
	s14 =	smov.u32 s12;
	[sflag:s19] =	ssyncadd.s32 @!p1 $0xFFFFC000  }
0x26: {  	s11 =	smov.u32 s18;
	s13 =	sadd.s32 $0x1, s13;
	s12 =	smov.u32 s20  }
.LBB1_1:
0x27: {  	p1 =	sge.u32 s13, s7  }
0x28: {  	s31 =	sadd.s32 $0xFFFFFFFF, s13;
	s17 =	sxor.u32 @!p1 $0xFFFFFFFF, s13  }
0x29: {  	s18 =	sshll.u32 @!p1 s11, $0x9;
	s19 =	sshll.u32 @!p1 s10, $0x3;
	s20 =	sshll.u32 @!p1 s11, $0x7  }
0x2a: {  	s21 =	sand.u32 @!p1 $0x78, s10;
	s18 =	sand.u32 @!p1 $0xF000, s18;
	s19 =	sand.u32 @!p1 $0xFC00, s19  }
0x2b: {  	s17 =	sshll.u32 @!p1 s17, $0xE;
	s18 =	sadd.s32 @!p1 s18, s19;
	s19 =	sand.u32 @!p1 $0x200, s20  }
0x2c: {  	s17 =	sand.u32 @!p1 $0x4000, s17;
	s18 =	sor.u32 @!p1 s19, s18;
	s19 =	sand.u32 @!p1 $0x180, s20  }
0x2d: {  	s20 =	sshll.u32 @!p1 s12, $0xD;
	s19 =	sor.u32 @!p1 s21, s19;
	s18 =	sshrl.u32 @!p1 s18, $0x3  }
0x2e: {  	s20 =	sadd.s32 @!p1 s4, s20;
	s21 =	sand.u32 @!p1 $0x7, s10;
	s19 =	sshrl.u32 @!p1 s19, $0x3  }
0x2f: {  	s18 =	sand.u32 @!p1 $0x1FC0, s18;
	s19 =	sadd.s32 @!p1 s19, s20;
	s20 =	sshll.u32 @!p1 s21, $0x12  }
0x30: {  	s18 =	sadd.s32 @!p1 s18, s19;
	s19 =	sor.u32 @!p1 $0x80, s20;
	s20 =	simm.s32 @!p1 $0x10000  }
0x31: {  	[tilespmem:s17], [sflag:$0x1] =	stream.strided.gather @!p1 [hbm4b:s18+s19], $0x4000, s20, s19, $0x38;
	[tilespmem:$0x10100] =	vst v63  }
0x32: {  	p1 =	sge.u32 s31, s7  }
.Ltmp2:
0x33: {  	_ = 	snop;
	(pc) =	sbr.rel @p1 .LBB1_5-.Ltmp2, $1  }
0x34: {  	_ =	sdelay $0x3  }
0x35: {  	s17 =	simm.s32 $0x1  }
0x36: {  	_ =	swait.ge [sflag:s6], $0x4000;
	s17 =	simm.s32 @!p0 $0x0  }
0x37: {  	[sflag:s6] =	ssyncset.done $0x0;
	s18 =	sshll.u32 s17, $0xE  }
0x38: {  	[sflag:s6] =	ssyncadd.s32 $0xFFFFC000;
	s19 =	sor.u32 $0x40, s18  }
0x39: {  	s17 =	smul.u32 $0x10200, s17;
	v0 =	vld [tilespmem:s19+$0x30]  }
0x3a: {  	v3 =	vld [tilespmem:s19+$0xFFFFFFD0]  }
0x3b: {  	s17 =	sshrl.u32 s17, $0x2;
	v4 =	vld [tilespmem:s19+$0xFFFFFFE0]  }
0x3c: {  	v5 =	vld [tilespmem:s19+$0xFFFFFFF0];
	s18 =	sor.u32 $0x8000, s17  }
0x3d: {  	s31 =	sand.u32 $0x1, s13;
	v1 =	vld [tilespmem:s19+$0x0];
	s20 =	sadd.s32 $0x0, s18  }
0x3e: {  	v2 =	vld [tilespmem:s19+$0x10];
	s17 =	smul.u32 $0x10200, s31;
	[tilespmem:s20+$0x3870 ss:$0x81] =	vst.msk $0xffff, v0  }
0x3f: {  	[tilespmem:s20+$0x810 ss:$0x81] =	vst.msk $0xffff, v3;
	v3 =	vld [tilespmem:s19+$0x20]  }
0x40: {  	s17 =	sshrl.u32 s17, $0x2;
	v0 =	vld [tilespmem:s19+$0xFFFFFFC0];
	[tilespmem:s20+$0x1020 ss:$0x81] =	vst.msk $0xffff, v4;
	s19 =	sadd.s32 $0x80, s19  }
0x41: {  	s21 =	simm.s32 $0x4;
	s22 =	simm.s32 $0x8;
	s17 =	sor.u32 $0x8000, s17;
	[tilespmem:s20+$0x1830 ss:$0x81] =	vst.msk $0xffff, v5;
	v4 =	vld [tilespmem:s19+$0x30]  }
.LBB1_3:
0x42: {  	p1 =	sne.s32 s22, $0x1FC;
	v5 =	vld [tilespmem:s19+$0xFFFFFFD0];
	[tilespmem:s20+$0x2040 ss:$0x81] =	vst.msk $0xffff, v1  }
0x43: {  	v6 =	vld [tilespmem:s19+$0xFFFFFFE0];
	[tilespmem:s20+$0x2850 ss:$0x81] =	vst.msk $0xffff, v2  }
0x44: {  	s23 =	sshra.s32 s21, $0x2;
	s21 =	smov.u32 s22;
	v7 =	vld [tilespmem:s19+$0xFFFFFFF0];
	[tilespmem:s20+$0x3060 ss:$0x81] =	vst.msk $0xffff, v3  }
.Ltmp3:
0x45: {  	v1 =	vld [tilespmem:s19+$0x0];
	[tilespmem:s20+$0x0 ss:$0x81] =	vst.msk $0xffff, v0;
	s20 =	sadd.s32 s23, s18;
	(pc) =	sbr.rel @p1 .LBB1_3-.Ltmp3, $4  }
0x46: {  	v2 =	vld [tilespmem:s19+$0x10];
	[tilespmem:s20+$0x3870 ss:$0x81] =	vst.msk $0xffff, v4  }
0x47: {  	[tilespmem:s20+$0x810 ss:$0x81] =	vst.msk $0xffff, v5;
	v3 =	vld [tilespmem:s19+$0x20]  }
0x48: {  	v0 =	vld [tilespmem:s19+$0xFFFFFFC0];
	[tilespmem:s20+$0x1020 ss:$0x81] =	vst.msk $0xffff, v6;
	s19 =	sadd.s32 $0x80, s19  }
0x49: {  	s22 =	sadd.s32 $0x4, s22;
	v4 =	vld [tilespmem:s19+$0x30];
	[tilespmem:s20+$0x1830 ss:$0x81] =	vst.msk $0xffff, v7  }
.Ltmp4:
0x4a: {  	_ = 	snop;
	(pc) =	sbr.rel .LBB1_4-.Ltmp4, $1  }
0x4b: {  	_ =	sdelay $0x3  }
.LBB1_6:
0x4c: {  	_ =	sfence.sel $0x180000  }
0x4d: {  	s2 =	simm.s32 $0x1;
	[bflag:$0x0] =	sbarrier.arrive $0xFFFF  }
0x4e: {  	s31 =	simm.s32 $0x2;
	[sflag:s2] =	ssyncpa.u1 $0x1  }
0x4f: {  	[sflag:s31] =	ssyncpa.u1 $0x1  }
0x50: {  	p0 =	sne.s32 s0, $0x0;
	_ =	strace $0x90000047  }
0x51: {  	s0 =	sadd.s32 @!p0 $0x100000, s1;
	[bflag:$0x2] =	sbarrier.arrive $0xFFFF  }
0x52: {  	[sflag:s0] =	ssyncadd.tile.s32 @!p0 $0x1;
	_ =	shalt  }
.Lfunc_end1:
_tile_overlayer_lowered:
.L_overlay_start_2:
0x53: {  	(tag) =	ssettag $0x2  }
0x54: {  	s0 =	rddreg [dreg:$0x0];
	s2 =	stileid.u32  }
0x55: {  	s1 =	rddreg [dreg:$0x1];
	p0 =	sne.s32 s2, $0x0  }
0x56: {  	s3 =	rddreg [dreg:$0x2];
	[bflag:$0x3] =	sbarrier.arrive $0xFFFF;
	s2 =	simm.s32 @!p0 $0x1C01  }
0x57: {  	[timem:s3], [sflag:s2] =	dma.local @!p0 [hbm:s0], s1  }
0x58: {  	s0 =	simm.s32 @!p0 $0x1  }
0x59: {  	_ =	swait.ge @!p0 [sflag:s0], s1  }
0x5a: {  	s1 =	ssub.s32 @!p0 $0x0, s1;
	[sflag:s0] =	ssyncset.done @!p0 $0x0  }
0x5b: {  	[sflag:s0] =	ssyncadd.s32 @!p0 s1  }
0x5c: {  	[bflag:$0x3] =	sbarrier.arrive $0xFFFF  }
0x5d: {  	_ =	shalt  }

</sc_bundles>
